<compile_context>
chip_gen: v7x
topology: tpu7x:2x2x1
jax: 0.10.2.dev20260603
libtpu: 0.0.44.dev20260713+nightly
codegen_flags: <defaults>
</compile_context>

<pallas_src>
import jax
import jax.numpy as jnp
from jax.experimental import pallas as pl


_ROWS = 65536
_COLS = 128
_BLOCK_ROWS = 4096


def _body(z_ref, o_ref):
    v = z_ref[...]
    lane = jax.lax.broadcasted_iota(jnp.int32, v.shape, dimension=1)
    even = (lane & 1) == 0
    p = jnp.where(even, jnp.roll(v, -1, axis=1), jnp.roll(v, 1, axis=1))
    x0 = jnp.where(even, v, p)
    x1 = jnp.where(even, p, v)
    a0 = jnp.abs(x0)
    a1 = jnp.abs(x1)
    ub = jnp.float32(1.5)
    inside = (a0 < ub) & (a1 < ub)
    bd = (a0 > ub) | (a1 > ub)
    pos1 = x1 > 0.0
    one = jnp.float32(1.0)
    neg0 = (pos1 & (x0 <= 0.0)) | ((~pos1) & (x0 < 0.0))
    sgn0 = jnp.where(neg0, -one, one)
    sgn1 = jnp.where(pos1, one, -one)
    qv = inside & (pos1 | (x0 != 0.0))
    s = sgn0 * sgn1
    se = jnp.where(even, one, -one)
    c05 = jnp.float32(0.05)
    aq = one - c05 * s * se
    cq = c05 * s * jnp.where(even, sgn0, -sgn1)
    yq = aq * v + cq
    ybd = jnp.float32(0.9505) * v + jnp.where(even, jnp.float32(-0.02),
                                              jnp.float32(0.02)) * p
    zero = jnp.float32(0.0)
    o_ref[...] = jnp.where(bd, ybd, jnp.where(qv, yq, zero))


def kernel(z):
    n = z.shape[0]
    zf = z.reshape(_ROWS, _COLS)
    out = pl.pallas_call(
        _body,
        out_shape=jax.ShapeDtypeStruct((_ROWS, _COLS), jnp.float32),
        grid=(_ROWS // _BLOCK_ROWS,),
        in_specs=[pl.BlockSpec((_BLOCK_ROWS, _COLS), lambda i: (i, 0))],
        out_specs=pl.BlockSpec((_BLOCK_ROWS, _COLS), lambda i: (i, 0)),
    )(zf)
    return out.reshape(n, 2)

# --- scband reference (transcript-rebuilt; emitter-appended) ---
"""Pipeline reference for scband-dynamics-quad-saddle-89060441850600 (READ-ONLY COPY).

The authoritative reference and input builder live on the scoring server;
editing this copy changes nothing except your own understanding.
"""

import jax, jax.numpy as jnp
import numpy as np

N = 4194304

def setup_inputs(seed: int = 0) -> dict:
    key = jax.random.key(seed)
    z = jax.random.normal(key, (N, 2), dtype=jnp.float32)
    return {"z": z}

def _bmv(A, x):
    # batched matrix-vector: (A @ x_i) for each row x_i
    return jnp.einsum('ij,nj->ni', A, x)

def reference(z):
    delta = 0.05
    ub = 1.5
    A_bd = jnp.array([[-0.99, -0.4], [0.4, -0.99]], dtype=jnp.float32)
    A_ul_lr = jnp.array([[1.0, 0.0], [0.0, -1.0]], dtype=jnp.float32)
    A_ur_ll = jnp.array([[-1.0, 0.0], [0.0, 1.0]], dtype=jnp.float32)
    z0_ur = jnp.array([1.0, 1.0], dtype=jnp.float32)
    z0_lr = jnp.array([1.0, -1.0], dtype=jnp.float32)
    z0_ul = jnp.array([-1.0, 1.0], dtype=jnp.float32)
    z0_ll = jnp.array([-1.0, -1.0], dtype=jnp.float32)

    x0 = z[..., 0]
    x1 = z[..., 1]
    inside = (jnp.abs(x0) < ub) & (jnp.abs(x1) < ub)
    m_ur = (x0 >= 0) & (x1 > 0) & inside
    m_lr = (x0 > 0) & (x1 <= 0) & inside
    m_ul = (x0 <= 0) & (x1 > 0) & inside
    m_ll = (x0 < 0) & (x1 <= 0) & inside
    m_bd = (jnp.abs(x0) > ub) | (jnp.abs(x1) > ub)

    # dim==2 path of the torch module: y starts at zeros, regions are scattered in.
    # Regions are mutually disjoint, so masked where-writes are exactly equivalent
    # to the index_put scatter in the original code.
    y = jnp.zeros_like(z)
    y = jnp.where(m_ur[..., None], z + delta * _bmv(A_ur_ll, z - z0_ur), y)
    y = jnp.where(m_lr[..., None], z + delta * _bmv(A_ul_lr, z - z0_lr), y)
    y = jnp.where(m_ul[..., None], z + delta * _bmv(A_ul_lr, z - z0_ul), y)
    y = jnp.where(m_ll[..., None], z + delta * _bmv(A_ur_ll, z - z0_ll), y)
    y = jnp.where(m_bd[..., None], z + delta * _bmv(A_bd, z), y)
    return y

if __name__ == "__main__":
    import jax
    _d = setup_inputs()
    print(jax.jit(kernel)(*tuple(_d.values())))

</pallas_src>

<mosaic_0001>
module attributes {stable_mosaic.version = 14 : i64} {
  func.func @_body(%arg0: i32, %arg1: memref<4096x128xf32, #tpu.memory_space<vmem>>, %arg2: memref<4096x128xf32, #tpu.memory_space<vmem>>) attributes {dimension_semantics = [#tpu.dimension_semantics<arbitrary>], iteration_bounds = array<i64: 16>, scalar_prefetch = 0 : i64, scratch_operands = 0 : i64, tpu.core_type = #tpu.core_type<tc>, window_params = [{transform_indices = @transform_0, window_bounds = array<i64: 4096, 128>}, {transform_indices = @transform_1, window_bounds = array<i64: 4096, 128>}]} {
    %get3A = arith.constant 0 : index
    %get3A_0 = arith.constant 0 : index
    %get3A_1 = vector.load %arg1[%get3A, %get3A_0] : memref<4096x128xf32, #tpu.memory_space<vmem>>, vector<4096x128xf32>
    %iota3A = tpu.iota {dimensions = array<i32: 1>} : vector<4096x128xi32>
    %and3A = arith.constant 1 : i32
    %and3A_2 = vector.broadcast %and3A : i32 to vector<4096x128xi32>
    %and3A_3 = arith.andi %iota3A, %and3A_2 : vector<4096x128xi32>
    %eq3A = arith.constant 0 : i32
    %eq3A_4 = vector.broadcast %eq3A : i32 to vector<4096x128xi32>
    %eq3A_5 = arith.cmpi eq, %and3A_3, %eq3A_4 : vector<4096x128xi32>
    %slice3A = vector.extract_strided_slice %get3A_1 {offsets = [0, 1], sizes = [4096, 127], strides = [1, 1]} : vector<4096x128xf32> to vector<4096x127xf32>
    %slice3A_6 = vector.extract_strided_slice %get3A_1 {offsets = [0, 0], sizes = [4096, 1], strides = [1, 1]} : vector<4096x128xf32> to vector<4096x1xf32>
    %concatenate3A = tpu.concatenate %slice3A, %slice3A_6 in 1 : vector<4096x127xf32>, vector<4096x1xf32> -> vector<4096x128xf32>
    %slice3A_7 = vector.extract_strided_slice %get3A_1 {offsets = [0, 127], sizes = [4096, 1], strides = [1, 1]} : vector<4096x128xf32> to vector<4096x1xf32>
    %slice3A_8 = vector.extract_strided_slice %get3A_1 {offsets = [0, 0], sizes = [4096, 127], strides = [1, 1]} : vector<4096x128xf32> to vector<4096x127xf32>
    %concatenate3A_9 = tpu.concatenate %slice3A_7, %slice3A_8 in 1 : vector<4096x1xf32>, vector<4096x127xf32> -> vector<4096x128xf32>
    %select_n3A = arith.select %eq3A_5, %concatenate3A, %concatenate3A_9 : vector<4096x128xi1>, vector<4096x128xf32>
    %select_n3A_10 = arith.select %eq3A_5, %get3A_1, %select_n3A : vector<4096x128xi1>, vector<4096x128xf32>
    %select_n3A_11 = arith.select %eq3A_5, %select_n3A, %get3A_1 : vector<4096x128xi1>, vector<4096x128xf32>
    %abs3A = math.absf %select_n3A_10 : vector<4096x128xf32>
    %abs3A_12 = math.absf %select_n3A_11 : vector<4096x128xf32>
    %lt3A = arith.constant 1.500000e+00 : f32
    %lt3A_13 = vector.broadcast %lt3A : f32 to vector<4096x128xf32>
    %lt3A_14 = arith.cmpf olt, %abs3A, %lt3A_13 : vector<4096x128xf32>
    %lt3A_15 = arith.constant 1.500000e+00 : f32
    %lt3A_16 = vector.broadcast %lt3A_15 : f32 to vector<4096x128xf32>
    %lt3A_17 = arith.cmpf olt, %abs3A_12, %lt3A_16 : vector<4096x128xf32>
    %and3A_18 = arith.andi %lt3A_14, %lt3A_17 : vector<4096x128xi1>
    %gt3A = arith.constant 1.500000e+00 : f32
    %gt3A_19 = vector.broadcast %gt3A : f32 to vector<4096x128xf32>
    %gt3A_20 = arith.cmpf ogt, %abs3A, %gt3A_19 : vector<4096x128xf32>
    %gt3A_21 = arith.constant 1.500000e+00 : f32
    %gt3A_22 = vector.broadcast %gt3A_21 : f32 to vector<4096x128xf32>
    %gt3A_23 = arith.cmpf ogt, %abs3A_12, %gt3A_22 : vector<4096x128xf32>
    %or3A = arith.ori %gt3A_20, %gt3A_23 : vector<4096x128xi1>
    %gt3A_24 = arith.constant 0.000000e+00 : f32
    %gt3A_25 = vector.broadcast %gt3A_24 : f32 to vector<4096x128xf32>
    %gt3A_26 = arith.cmpf ogt, %select_n3A_11, %gt3A_25 : vector<4096x128xf32>
    %le3A = arith.constant 0.000000e+00 : f32
    %le3A_27 = vector.broadcast %le3A : f32 to vector<4096x128xf32>
    %le3A_28 = arith.cmpf ole, %select_n3A_10, %le3A_27 : vector<4096x128xf32>
    %and3A_29 = arith.andi %gt3A_26, %le3A_28 : vector<4096x128xi1>
    %not3A = arith.constant dense<true> : vector<4096x128xi1>
    %not3A_30 = arith.xori %gt3A_26, %not3A : vector<4096x128xi1>
    %lt3A_31 = arith.constant 0.000000e+00 : f32
    %lt3A_32 = vector.broadcast %lt3A_31 : f32 to vector<4096x128xf32>
    %lt3A_33 = arith.cmpf olt, %select_n3A_10, %lt3A_32 : vector<4096x128xf32>
    %and3A_34 = arith.andi %not3A_30, %lt3A_33 : vector<4096x128xi1>
    %or3A_35 = arith.ori %and3A_29, %and3A_34 : vector<4096x128xi1>
    %neg3A = arith.constant 0.000000e+00 : f32
    %neg3A_36 = arith.constant 1.000000e+00 : f32
    %neg3A_37 = arith.subf %neg3A, %neg3A_36 : f32
    %jit3A = arith.constant 1.000000e+00 : f32
    %broadcast_in_dim3A = vector.broadcast %neg3A_37 : f32 to vector<4096x128xf32>
    %broadcast_in_dim3A_38 = vector.broadcast %jit3A : f32 to vector<4096x128xf32>
    %select_n3A_39 = arith.select %or3A_35, %broadcast_in_dim3A, %broadcast_in_dim3A_38 : vector<4096x128xi1>, vector<4096x128xf32>
    %neg3A_40 = arith.constant 0.000000e+00 : f32
    %neg3A_41 = arith.constant 1.000000e+00 : f32
    %neg3A_42 = arith.subf %neg3A_40, %neg3A_41 : f32
    %jit3A_43 = arith.constant 1.000000e+00 : f32
    %broadcast_in_dim3A_44 = vector.broadcast %jit3A_43 : f32 to vector<4096x128xf32>
    %broadcast_in_dim3A_45 = vector.broadcast %neg3A_42 : f32 to vector<4096x128xf32>
    %select_n3A_46 = arith.select %gt3A_26, %broadcast_in_dim3A_44, %broadcast_in_dim3A_45 : vector<4096x128xi1>, vector<4096x128xf32>
    %ne3A = arith.constant 0.000000e+00 : f32
    %ne3A_47 = vector.broadcast %ne3A : f32 to vector<4096x128xf32>
    %ne3A_48 = arith.cmpf one, %select_n3A_10, %ne3A_47 : vector<4096x128xf32>
    %or3A_49 = arith.ori %gt3A_26, %ne3A_48 : vector<4096x128xi1>
    %and3A_50 = arith.andi %and3A_18, %or3A_49 : vector<4096x128xi1>
    %mul3A = arith.mulf %select_n3A_39, %select_n3A_46 : vector<4096x128xf32>
    %neg3A_51 = arith.constant 0.000000e+00 : f32
    %neg3A_52 = arith.constant 1.000000e+00 : f32
    %neg3A_53 = arith.subf %neg3A_51, %neg3A_52 : f32
    %jit3A_54 = arith.constant 1.000000e+00 : f32
    %broadcast_in_dim3A_55 = vector.broadcast %jit3A_54 : f32 to vector<4096x128xf32>
    %broadcast_in_dim3A_56 = vector.broadcast %neg3A_53 : f32 to vector<4096x128xf32>
    %select_n3A_57 = arith.select %eq3A_5, %broadcast_in_dim3A_55, %broadcast_in_dim3A_56 : vector<4096x128xi1>, vector<4096x128xf32>
    %mul3A_58 = arith.constant 5.000000e-02 : f32
    %mul3A_59 = vector.broadcast %mul3A_58 : f32 to vector<4096x128xf32>
    %mul3A_60 = arith.mulf %mul3A_59, %mul3A : vector<4096x128xf32>
    %mul3A_61 = arith.mulf %mul3A_60, %select_n3A_57 : vector<4096x128xf32>
    %sub3A = arith.constant 1.000000e+00 : f32
    %sub3A_62 = vector.broadcast %sub3A : f32 to vector<4096x128xf32>
    %sub3A_63 = arith.subf %sub3A_62, %mul3A_61 : vector<4096x128xf32>
    %mul3A_64 = arith.constant 5.000000e-02 : f32
    %mul3A_65 = vector.broadcast %mul3A_64 : f32 to vector<4096x128xf32>
    %mul3A_66 = arith.mulf %mul3A_65, %mul3A : vector<4096x128xf32>
    %neg3A_67 = arith.constant 0.000000e+00 : f32
    %neg3A_68 = vector.broadcast %neg3A_67 : f32 to vector<4096x128xf32>
    %neg3A_69 = arith.subf %neg3A_68, %select_n3A_46 : vector<4096x128xf32>
    %select_n3A_70 = arith.select %eq3A_5, %select_n3A_39, %neg3A_69 : vector<4096x128xi1>, vector<4096x128xf32>
    %mul3A_71 = arith.mulf %mul3A_66, %select_n3A_70 : vector<4096x128xf32>
    %mul3A_72 = arith.mulf %sub3A_63, %get3A_1 : vector<4096x128xf32>
    %add3A = arith.addf %mul3A_72, %mul3A_71 : vector<4096x128xf32>
    %mul3A_73 = arith.constant 9.505000e-01 : f32
    %mul3A_74 = vector.broadcast %mul3A_73 : f32 to vector<4096x128xf32>
    %mul3A_75 = arith.mulf %mul3A_74, %get3A_1 : vector<4096x128xf32>
    %jit3A_76 = arith.constant -2.000000e-02 : f32
    %jit3A_77 = arith.constant 2.000000e-02 : f32
    %broadcast_in_dim3A_78 = vector.broadcast %jit3A_76 : f32 to vector<4096x128xf32>
    %broadcast_in_dim3A_79 = vector.broadcast %jit3A_77 : f32 to vector<4096x128xf32>
    %select_n3A_80 = arith.select %eq3A_5, %broadcast_in_dim3A_78, %broadcast_in_dim3A_79 : vector<4096x128xi1>, vector<4096x128xf32>
    %mul3A_81 = arith.mulf %select_n3A_80, %select_n3A : vector<4096x128xf32>
    %add3A_82 = arith.addf %mul3A_75, %mul3A_81 : vector<4096x128xf32>
    %jit3A_83 = arith.constant 0.000000e+00 : f32
    %broadcast_in_dim3A_84 = vector.broadcast %jit3A_83 : f32 to vector<4096x128xf32>
    %select_n3A_85 = arith.select %and3A_50, %add3A, %broadcast_in_dim3A_84 : vector<4096x128xi1>, vector<4096x128xf32>
    %select_n3A_86 = arith.select %or3A, %add3A_82, %select_n3A_85 : vector<4096x128xi1>, vector<4096x128xf32>
    %swap3A = arith.constant 0 : index
    %swap3A_87 = arith.constant 0 : index
    %swap3A_88 = vector.load %arg2[%swap3A, %swap3A_87] : memref<4096x128xf32, #tpu.memory_space<vmem>>, vector<4096x128xf32>
    tpu.vector_store %arg2[%swap3A, %swap3A_87], %select_n3A_86 {strides = array<i32>} : memref<4096x128xf32, #tpu.memory_space<vmem>>, vector<4096x128xf32>,
    return
  }
  func.func @transform_0(%arg0: i32) -> (i32, i32) {
    %c0_i32 = arith.constant 0 : i32
    %c0_i32_0 = arith.constant 0 : i32
    return %arg0, %c0_i32 : i32, i32
  }
  func.func @transform_1(%arg0: i32) -> (i32, i32) {
    %c0_i32 = arith.constant 0 : i32
    %c0_i32_0 = arith.constant 0 : i32
    return %arg0, %c0_i32 : i32, i32
  }
}

</mosaic_0001>

<sc_bundles>
// kernel: sparse-core-data-format-call.cloned.1.call-start
scs
called_computation_lowered:
.L_overlay_start_0:
0x0: {  	s2 =	sld [smem:$0x3FD9]  }
0x1: {  	s3 =	sld [smem:$0x3FFE];
	_ =	sdelay $0x1  }
0x2: {  	s1 =	srdreg.scid  }
0x3: {  	s0 =	sand.u32 $0x1, s1  }
0x4: {  	s18 =	sshll.u32 s0, $0xA;
	s2 =	sadd.s32 s3, s2  }
0x5: {  	s2 =	sadd.s32 s2, s18  }
0x6: {  	[smem:$0x3FC7] =	sst s2  }
0x7: {  	_ = 	snop  }
0x8: {  	s2 =	sld [smem:$0x3FD0];
	(tm) =	ssettm $0x1  }
0x9: {  	s19 =	sld [smem:$0x3FFB];
	_ =	sdelay $0x3  }
0xa: {  	_ =	strace s19  }
0xb: {  	s3 =	sld [smem:$0x3FFC];
	_ =	sdelay $0x3  }
0xc: {  	_ =	strace s3  }
0xd: {  	s3 =	sld [smem:$0x3FFD];
	_ =	sdelay $0x3  }
0xe: {  	_ =	strace s3  }
0xf: {  	_ =	strace $0x8FFFFFFF  }
0x10: {  	s20 =	sld [smem:$0x3FDB];
	_ =	sdelay $0x1  }
0x11: {  	s4 =	simm.s32 $_scs_section_size  }
0x12: {  	s5 =	simm.s32 $_size__tile_overlayer_lowered;
	s6 =	simm.s32 $_tile_overlayer_lowered  }
0x13: {  	s23 =	simm.s32 $0x1BFF;
	s22 =	sshll.u32 s6, $0x1;
	s3 =	sadd.s32 s4, s20  }
0x14: {  	s7 =	simm.s32 $0x0;
	s21 =	sshll.u32 s5, $0x1;
	s5 =	sadd.s32 s22, s3  }
0x15: {  	[timem:s7], [sflag:s23] =	dma.local [hbm:s5], s21  }
0x16: {  	_ =	swait.ge [sflag:s23], s21  }
0x17: {  	s4 =	ssub.s32 $0x0, s21;
	[sflag:s23] =	ssyncset.done $0x0  }
0x18: {  	[sflag:s23] =	ssyncadd.s32 s4;
	_ =	sdelay $0x1  }
0x19: {  	s24 =	simm.s32 $0x1B8B  }
0x1a: {  	_ =	swait.ge [sflag:s24], $0x1  }
0x1b: {  	[sflag:s24] =	ssyncset.done $0x0  }
0x1c: {  	s26 =	simm.s32 $0x1B8E;
	s25 =	sld [smem:$0x3FFE];
	[sflag:s24] =	ssyncadd.s32 $0xFFFFFFFF  }
0x1d: {  	s27 =	simm.s32 $execute0_lowered;
	[smem:$0x3FD2] =	sst s26  }
0x1e: {  	s5 =	sshll.u32 s27, $0x1;
	_ =	strace $0x80000046;
	[dreg:$0x1] =	wrdreg $0xFFFFFFFF  }
0x1f: {  	s28 =	simm.s32 $_size_execute0_lowered;
	s3 =	sadd.s32 s3, s5;
	[dreg:$0x0] =	wrdreg $0x0  }
0x20: {  	s5 =	sshll.u32 s28, $0x1;
	[dreg:$0x2] =	wrdreg s3  }
0x21: {  	[dreg:$0x3] =	wrdreg s5  }
0x22: {  	[dreg:$0x4] =	wrdreg $0xC0  }
0x23: {  	_ =	task [dreg:s7], $0x5FFFF  }
0x24: {  	[dreg:$0x1] =	wrdreg $0xFFFFFFFF  }
0x25: {  	[dreg:$0x0] =	wrdreg $0x60  }
0x26: {  	[dreg:$0x2] =	wrdreg s25  }
0x27: {  	[dreg:$0x3] =	wrdreg s2  }
0x28: {  	[dreg:$0x4] =	wrdreg $0x9  }
0x29: {  	_ =	task.clear_ibuf [dreg:s7], $0x5FFFF;
	_ =	strace $0x90000046  }
0x2a: {  	s29 =	simm.s32 $0x9;
	_ =	strace $0x80000048  }
0x2b: {  	_ =	swait.ge [sflag:s29], $0x1  }
0x2c: {  	[sflag:s29] =	ssyncadd.s32 $0xFFFFFFFF  }
0x2d: {  	_ =	strace $0x90000048  }
0x2e: {  	_ =	sfence  }
0x2f: {  	s30 =	sld [smem:$0x0];
	_ =	sdelay $0x2  }
0x30: {  	s31 =	sshll.u32 s1, $0xD;
	s1 =	sshrl.u32 s1, $0x2  }
0x31: {  	s3 =	sand.u32 $0x4000, s31;
	s1 =	sadd.s32 s1, s30  }
0x32: {  	s0 =	sor.u32 s3, s0;
	s1 =	sshll.u32 s1, $0x11  }
0x33: {  	s0 =	sor.u32 s1, s0  }
0x34: {  	s0 =	sadd.s32 $0x8F2B, s0  }
0x35: {  	[sflag:s0] =	ssyncadd.remote.s32 $0x1  }
0x36: {  	_ =	sfence.sel $0xFFFF  }
0x37: {  	[dreg:$0x0] =	wrdreg $0xFFFFFFFF;
	(pc) =	sbr.abs _section_cstart, $3  }
0x38: {  	[dreg:$0x1] =	wrdreg $0xFFFFFFFF  }
0x39: {  	_ =	task.clear_ibuf [dreg:s7], $0x2FFFF;
	_ =	strace $0x9FFFFFFF  }
0x3a: {  	(tm) =	ssettm $0x7FFFFFFF  }
0x3b: {  	_ =	shalt  }
tec
execute0_lowered:
.L_overlay_start_1:
0x0: {  	(tag) =	ssettag $0x1  }
0x1: {  	s0 =	srdreg.scid  }
0x2: {  	s5 =	rddreg [dreg:$0x0];
	s1 =	sshll.u32 s0, $0x4  }
0x3: {  	s2 =	rddreg [dreg:$0x1];
	s0 =	stileid.u32;
	s1 =	sand.u32 $0x10, s1  }
0x4: {  	s4 =	simm.s32 $0x1;
	s8 =	simm.s32 $0x2;
	s1 =	sor.u32 s0, s1  }
0x5: {  	s12 =	simm.s32 $0x0;
	s9 =	simm.s32 $0x0;
	s3 =	sshll.u32 s1, $0x7  }
0x6: {  	s11 =	simm.s32 $0x0;
	s5 =	sadd.s32 $0x100400, s5;
	s6 =	ssub.s32 $0x400000, s3  }
.Ltmp0:
0x7: {  	s1 =	rddreg [dreg:$0x2];
	s7 =	sand.u32 $0xF80, s6;
	(pc) =	sbr.rel .LBB1_1-.Ltmp0, $4  }
0x8: {  	_ =	strace $0x80000047;
	p0 =	sne.s32 s7, $0x0;
	s7 =	simm.s32 $0x1  }
0x9: {  	[sflag:s4] =	ssyncpa.u1 $0x0;
	s6 =	sshrl.u32 s6, $0xC;
	s7 =	simm.s32 @!p0 $0x0  }
0xa: {  	s10 =	smov.u32 s3;
	[sflag:s8] =	ssyncpa.u1 $0x0;
	s6 =	sadd.s32 s7, s6  }
0xb: {  	s8 =	simm.s32 $0x800000;
	p0 =	por $0x0, $0x0;
	s7 =	sadd.s32 $0x1, s6  }
.LBB1_4:
0xc: {  	p1 =	sgt.s32 s9, $0x3FFF80;
	s15 =	smov.u32 s9;
	s16 =	sshra.s32 s9, $0x1F  }
0xd: {  	s15 =	simm.s32 @!p1 $0x3FFF80;
	s16 =	sand.u32 s16, s9  }
0xe: {  	s15 =	ssub.s32 s15, s16  }
0xf: {  	s28 =	sand.u32 $0x78, s9;
	s17 =	sshll.u32 s9, $0x1;
	s15 =	sadd.s32 $0xFFC00080, s15  }
0x10: {  	s17 =	sand.u32 $0x7FFF00, s17;
	p1 =	sgt.s32 s15, $0x7F;
	s15 =	sshll.u32 s15, $0x3  }
0x11: {  	s29 =	sand.u32 $0x7, s9;
	s16 =	sor.u32 s28, s17;
	s15 =	ssub.s32 $0x400, s15  }
0x12: {  	s17 =	sshll.u32 s29, $0x12;
	s16 =	sshrl.u32 s16, $0x3;
	s15 =	sshrl.u32 s15, $0x2  }
0x13: {  	[tilespmem:s14+$0x0 ss:$0x81] =	vst.msk $0xffff, v0;
	s31 =	sor.u32 $0x100, s17;
	s30 =	sadd.s32 s2, s16;
	s15 =	simm.s32 @p1 $0x0  }
0x14: {  	[hbm4b:s30+s31] =	stream.strided.scatter [tilespmem:s13], [sflag:$0x2], s15, s8, s31, $0x20;
	[tilespmem:$0x4040] =	vst v63  }
.LBB1_5:
0x15: {  	p1 =	slt.u32 s11, $0x2  }
0x16: {  	p2 =	sgt.s32 @!p1 s12, $0x3FFF80  }
0x17: {  	s13 =	smov.u32 s12;
	s14 =	sshra.s32 @!p1 s12, $0x1F;
	p2 =	por !p2, p1  }
0x18: {  	s12 =	sand.u32 @!p1 s14, s12;
	s13 =	simm.s32 @p2 $0x3FFF80  }
0x19: {  	s12 =	ssub.s32 @!p1 s13, s12  }
0x1a: {  	s12 =	sadd.s32 @!p1 $0xFFC00080, s12  }
0x1b: {  	s13 =	sshll.u32 @!p1 s12, $0x3  }
0x1c: {  	p2 =	sgt.s32 @!p1 s12, $0x7F;
	s12 =	ssub.s32 @!p1 $0x400, s13  }
0x1d: {  	s14 =	sadd.s32 $0x1000, s10;
	p2 =	por !p2, p1;
	s12 =	sshrl.u32 @!p1 s12, $0x2  }
0x1e: {  	s12 =	simm.s32 @!p2 $0x0;
	p2 =	sgt.s32 s14, $0x3FFFFF  }
0x1f: {  	s14 =	smov.u32 @p2 s3;
	p2 =	sne.s32 s11, s7  }
.Ltmp1:
0x20: {  	_ = 	snop;
	(pc) =	sbr.rel @!p2 .LBB1_6-.Ltmp1, $4  }
0x21: {  	s13 =	simm.s32 @!p1 $0x2  }
0x22: {  	p0 =	por !p0, !p0;
	_ =	swait.ge @!p1 [sflag:s13], s12;
	s15 =	ssub.s32 @!p1 $0x0, s12  }
0x23: {  	s12 =	smov.u32 s9;
	s11 =	sadd.s32 $0x1, s11;
	[sflag:s13] =	ssyncset.done @!p1 $0x0  }
0x24: {  	s9 =	smov.u32 s10;
	s10 =	smov.u32 s14;
	[sflag:s13] =	ssyncadd.s32 @!p1 s15  }
.LBB1_1:
0x25: {  	p1 =	sge.u32 s11, s6  }
0x26: {  	s31 =	sadd.s32 $0xFFFFFFFF, s11;
	s13 =	sxor.u32 @!p1 $0xFFFFFFFF, s11;
	s14 =	sshll.u32 @!p1 s10, $0x4  }
0x27: {  	s15 =	simm.s32 @!p1 $0x20;
	s13 =	sshll.u32 @!p1 s13, $0xC;
	s14 =	sand.u32 @!p1 $0x3FFFFF0, s14  }
0x28: {  	s16 =	simm.s32 @!p1 $0x80;
	s13 =	sand.u32 @!p1 $0x1000, s13;
	s14 =	sadd.s32 @!p1 s5, s14  }
0x29: {  	[tilespmem:s13], [sflag:$0x1] =	stream.strided.gather @!p1 [hbm4b:s14+s15], $0x1000, s16, s15, $0x38;
	[tilespmem:$0x4040] =	vst v63  }
0x2a: {  	p1 =	sge.u32 s31, s6  }
.Ltmp2:
0x2b: {  	_ = 	snop;
	(pc) =	sbr.rel @p1 .LBB1_5-.Ltmp2, $1  }
0x2c: {  	_ =	sdelay $0x3  }
0x2d: {  	s13 =	simm.s32 $0x1  }
0x2e: {  	_ =	swait.ge [sflag:s4], $0x1000;
	s13 =	simm.s32 @!p0 $0x0  }
0x2f: {  	[sflag:s4] =	ssyncset.done $0x0;
	s14 =	sshll.u32 s13, $0xC  }
0x30: {  	[sflag:s4] =	ssyncadd.s32 $0xFFFFF000;
	s17 =	sor.u32 $0x10, s14  }
0x31: {  	s13 =	smul.u32 $0x4080, s13;
	v1 =	vld [tilespmem:s17+$0x0]  }
0x32: {  	s30 =	sand.u32 $0x1, s11;
	v0 =	vld [tilespmem:s17+$0xFFFFFFF0]  }
0x33: {  	s14 =	smul.u32 $0x4080, s30;
	s13 =	sshrl.u32 s13, $0x2  }
0x34: {  	s15 =	sor.u32 $0x2000, s13  }
0x35: {  	s31 =	sshrl.u32 s14, $0x2;
	s14 =	sadd.s32 $0x0, s15  }
0x36: {  	s16 =	simm.s32 $0x4;
	s17 =	sadd.s32 $0x20, s17;
	s13 =	sor.u32 $0x2000, s31;
	[tilespmem:s14+$0x810 ss:$0x81] =	vst.msk $0xffff, v1  }
.LBB1_3:
0x37: {  	v1 =	vld [tilespmem:s17+$0x0];
	p1 =	sne.s32 s16, $0x1FC;
	[tilespmem:s14+$0x0 ss:$0x81] =	vst.msk $0xffff, v0;
	s14 =	smov.u32 s16;
	s16 =	sadd.s32 $0x4, s16  }
.Ltmp3:
0x38: {  	v0 =	vld [tilespmem:s17+$0xFFFFFFF0];
	(pc) =	sbr.rel @p1 .LBB1_3-.Ltmp3, $4  }
0x39: {  	_ = 	snop  }
0x3a: {  	s14 =	sshra.s32 s14, $0x2  }
0x3b: {  	s14 =	sadd.s32 s14, s15  }
0x3c: {  	s17 =	sadd.s32 $0x20, s17;
	[tilespmem:s14+$0x810 ss:$0x81] =	vst.msk $0xffff, v1  }
.Ltmp4:
0x3d: {  	_ = 	snop;
	(pc) =	sbr.rel .LBB1_4-.Ltmp4, $1  }
0x3e: {  	_ =	sdelay $0x3  }
.LBB1_6:
0x3f: {  	_ =	sfence.sel $0x180000  }
0x40: {  	s2 =	simm.s32 $0x1;
	[bflag:$0x0] =	sbarrier.arrive $0xFFFF  }
0x41: {  	s31 =	simm.s32 $0x2;
	[sflag:s2] =	ssyncpa.u1 $0x1  }
0x42: {  	[sflag:s31] =	ssyncpa.u1 $0x1  }
0x43: {  	p0 =	sne.s32 s0, $0x0;
	_ =	strace $0x90000047  }
0x44: {  	s0 =	sadd.s32 @!p0 $0x100000, s1;
	[bflag:$0x2] =	sbarrier.arrive $0xFFFF  }
0x45: {  	[sflag:s0] =	ssyncadd.tile.s32 @!p0 $0x1;
	_ =	shalt  }
.Lfunc_end1:
_tile_overlayer_lowered:
.L_overlay_start_2:
0x46: {  	(tag) =	ssettag $0x2  }
0x47: {  	s0 =	rddreg [dreg:$0x0];
	s2 =	stileid.u32  }
0x48: {  	s1 =	rddreg [dreg:$0x1];
	p0 =	sne.s32 s2, $0x0  }
0x49: {  	s3 =	rddreg [dreg:$0x2];
	[bflag:$0x3] =	sbarrier.arrive $0xFFFF;
	s2 =	simm.s32 @!p0 $0x1C01  }
0x4a: {  	[timem:s3], [sflag:s2] =	dma.local @!p0 [hbm:s0], s1  }
0x4b: {  	s0 =	simm.s32 @!p0 $0x1  }
0x4c: {  	_ =	swait.ge @!p0 [sflag:s0], s1  }
0x4d: {  	s1 =	ssub.s32 @!p0 $0x0, s1;
	[sflag:s0] =	ssyncset.done @!p0 $0x0  }
0x4e: {  	[sflag:s0] =	ssyncadd.s32 @!p0 s1  }
0x4f: {  	[bflag:$0x3] =	sbarrier.arrive $0xFFFF  }
0x50: {  	_ =	shalt  }

</sc_bundles>
